<compile_context>
chip_gen: v7x
topology: tpu7x:2x2x1
jax: 0.10.2.dev20260603
libtpu: 0.0.44.dev20260713+nightly
codegen_flags: <defaults>
</compile_context>

<pallas_src>
import jax
import jax.numpy as jnp
from jax.experimental import pallas as pl
from jax.experimental.pallas import tpu as pltpu

_NBUF = 4


def _encode_kernel(x_hbm, w_ref, b_ref, pos_ref, o_ref, xbuf, sems):
    i = pl.program_id(0)
    nsteps = pl.num_programs(0)

    @pl.when(i == 0)
    def _warmup():
        for k in range(_NBUF):
            pltpu.make_async_copy(x_hbm.at[k], xbuf.at[k], sems.at[k]).start()

    slot = jax.lax.rem(i, _NBUF)
    pltpu.make_async_copy(x_hbm.at[i], xbuf.at[slot], sems.at[slot]).wait()

    acc = jax.lax.dot_general(
        xbuf[slot], w_ref[...], (((1,), (1,)), ((), ())),
        preferred_element_type=jnp.float32,
    )
    o_ref[0] = jnp.pad(acc + b_ref[...] + pos_ref[...], ((0, 0), (0, 32)))

    nxt = i + _NBUF
    nslot = jax.lax.rem(nxt, _NBUF)

    @pl.when(nxt < nsteps)
    def _prefetch():
        pltpu.make_async_copy(x_hbm.at[nxt], xbuf.at[nslot], sems.at[nslot]).start()


def kernel(patch, W, b, pos_table):
    B, N, D = patch.shape
    P = W.shape[0]
    b2 = b.reshape(1, P)
    return pl.pallas_call(
        _encode_kernel,
        grid=(B,),
        in_specs=[
            pl.BlockSpec(memory_space=pltpu.HBM),
            pl.BlockSpec((P, D), lambda i: (0, 0)),
            pl.BlockSpec((1, P), lambda i: (0, 0)),
            pl.BlockSpec((N, P), lambda i: (0, 0)),
        ],
        out_specs=pl.BlockSpec((1, N, 128), lambda i: (i, 0, 0)),
        out_shape=jax.ShapeDtypeStruct((B, N, 128), jnp.float32),
        scratch_shapes=[
            pltpu.VMEM((_NBUF, N, D), jnp.float32),
            pltpu.SemaphoreType.DMA((_NBUF,)),
        ],
        compiler_params=pltpu.CompilerParams(
            dimension_semantics=("arbitrary",),
        ),
    )(patch, W, b2, pos_table)[:, :, :P]

# --- scband reference (transcript-rebuilt; emitter-appended) ---
"""Pipeline reference for scband-patch-encoder-51075751084523 (READ-ONLY COPY).

The authoritative reference and input builder live on the scoring server;
editing this copy changes nothing except your own understanding.
"""

import jax, jax.numpy as jnp
import numpy as np

NUM_PATCHES = 1024
PATCH_DIM = 768
PROJ_DIM = 96
BATCH = 128

def setup_inputs(seed: int = 0) -> dict:
    key = jax.random.key(seed)
    k1, k2, k3, k4 = jax.random.split(key, 4)
    patch = jax.random.normal(k1, (BATCH, NUM_PATCHES, PATCH_DIM), dtype=jnp.float32)
    # torch Linear: weight [out, in], bias [out]
    W = jax.random.normal(k2, (PROJ_DIM, PATCH_DIM), dtype=jnp.float32) * (1.0 / np.sqrt(PATCH_DIM))
    b = jax.random.normal(k3, (PROJ_DIM,), dtype=jnp.float32) * 0.01
    pos_table = jax.random.normal(k4, (NUM_PATCHES, PROJ_DIM), dtype=jnp.float32)
    return {"patch": patch, "W": W, "b": b, "pos_table": pos_table}

def reference(patch, W, b, pos_table):
    positions = jnp.arange(0, NUM_PATCHES, dtype=jnp.int32)
    proj = jnp.einsum('bnd,pd->bnp', patch, W) + b
    pos_emb = jnp.take(pos_table, positions, axis=0)  # [NUM_PATCHES, PROJ_DIM]
    encoded = proj + pos_emb[None, :, :]
    return encoded

if __name__ == "__main__":
    import jax
    _d = setup_inputs()
    print(jax.jit(kernel)(*tuple(_d.values())))

</pallas_src>

<mosaic_0001>
module attributes {stable_mosaic.version = 14 : i64} {
  func.func @_encode_kernel(%arg0: i32, %arg1: memref<128x1024x768xf32, #tpu.memory_space<hbm>>, %arg2: memref<96x768xf32, #tpu.memory_space<vmem>>, %arg3: memref<1x96xf32, #tpu.memory_space<vmem>>, %arg4: memref<1024x96xf32, #tpu.memory_space<vmem>>, %arg5: memref<1x1024x128xf32, #tpu.memory_space<vmem>>, %arg6: memref<4x1024x768xf32, #tpu.memory_space<vmem>>, %arg7: memref<4x!tpu.dma_semaphore, #tpu.memory_space<semaphore_mem>>) attributes {dimension_semantics = [#tpu.dimension_semantics<arbitrary>], iteration_bounds = array<i64: 128>, scalar_prefetch = 0 : i64, scratch_operands = 2 : i64, tpu.core_type = #tpu.core_type<tc>, window_params = [{}, {pipeline_mode = #tpu.pipeline_mode<synchronous>, transform_indices = @transform_1, window_bounds = array<i64: 96, 768>}, {pipeline_mode = #tpu.pipeline_mode<synchronous>, transform_indices = @transform_2, window_bounds = array<i64: 1, 96>}, {pipeline_mode = #tpu.pipeline_mode<synchronous>, transform_indices = @transform_3, window_bounds = array<i64: 1024, 96>}, {transform_indices = @transform_4, window_bounds = array<i64: 1, 1024, 128>}]} {
    %eq3A = arith.constant 0 : i32
    %eq3A_0 = arith.cmpi eq, %arg0, %eq3A : i32
    %convert_element_type3A = arith.extui %eq3A_0 : i1 to i32
    %cond3A = arith.constant 0 : i32
    %cond3A_1 = arith.cmpi ne, %convert_element_type3A, %cond3A : i32
    scf.if %cond3A_1 {
      %dma_start3A = arith.constant 0 : i32
      %dma_start3A_43 = arith.constant 0 : i32
      %dma_start3A_44 = arith.constant 0 : i32
      %dma_start3A_45 = tpu.memref_slice %arg7[%dma_start3A_44] : memref<4x!tpu.dma_semaphore, #tpu.memory_space<semaphore_mem>> -> memref<1x!tpu.dma_semaphore, #tpu.memory_space<semaphore_mem>>
      %dma_start3A_46 = tpu.memref_squeeze %dma_start3A_45 : memref<1x!tpu.dma_semaphore, #tpu.memory_space<semaphore_mem>> -> memref<!tpu.dma_semaphore, #tpu.memory_space<semaphore_mem>>
      %dma_start3A_47 = arith.constant 0 : i32
      %dma_start3A_48 = arith.constant 0 : i32
      %dma_start3A_49 = tpu.memref_slice %arg6[%dma_start3A_43, %dma_start3A_47, %dma_start3A_48] : memref<4x1024x768xf32, #tpu.memory_space<vmem>> -> memref<1x1024x768xf32, #tpu.memory_space<vmem>>
      %dma_start3A_50 = tpu.memref_squeeze %dma_start3A_49 : memref<1x1024x768xf32, #tpu.memory_space<vmem>> -> memref<1024x768xf32, #tpu.memory_space<vmem>>
      %dma_start3A_51 = arith.constant 0 : i32
      %dma_start3A_52 = arith.constant 0 : i32
      %dma_start3A_53 = tpu.memref_slice %arg1[%dma_start3A, %dma_start3A_51, %dma_start3A_52] : memref<128x1024x768xf32, #tpu.memory_space<hbm>> -> memref<1x1024x768xf32, #tpu.memory_space<hbm>>
      %dma_start3A_54 = tpu.memref_squeeze %dma_start3A_53 : memref<1x1024x768xf32, #tpu.memory_space<hbm>> -> memref<1024x768xf32, #tpu.memory_space<hbm>>
      tpu.enqueue_dma source(%dma_start3A_54 : memref<1024x768xf32, #tpu.memory_space<hbm>>) target(%dma_start3A_50 : memref<1024x768xf32, #tpu.memory_space<vmem>>) target_semaphore(%dma_start3A_46 : memref<!tpu.dma_semaphore, #tpu.memory_space<semaphore_mem>>)
      %dma_start3A_55 = arith.constant 1 : i32
      %dma_start3A_56 = arith.constant 1 : i32
      %dma_start3A_57 = arith.constant 1 : i32
      %dma_start3A_58 = tpu.memref_slice %arg7[%dma_start3A_57] : memref<4x!tpu.dma_semaphore, #tpu.memory_space<semaphore_mem>> -> memref<1x!tpu.dma_semaphore, #tpu.memory_space<semaphore_mem>>
      %dma_start3A_59 = tpu.memref_squeeze %dma_start3A_58 : memref<1x!tpu.dma_semaphore, #tpu.memory_space<semaphore_mem>> -> memref<!tpu.dma_semaphore, #tpu.memory_space<semaphore_mem>>
      %dma_start3A_60 = arith.constant 0 : i32
      %dma_start3A_61 = arith.constant 0 : i32
      %dma_start3A_62 = tpu.memref_slice %arg6[%dma_start3A_56, %dma_start3A_60, %dma_start3A_61] : memref<4x1024x768xf32, #tpu.memory_space<vmem>> -> memref<1x1024x768xf32, #tpu.memory_space<vmem>>
      %dma_start3A_63 = tpu.memref_squeeze %dma_start3A_62 : memref<1x1024x768xf32, #tpu.memory_space<vmem>> -> memref<1024x768xf32, #tpu.memory_space<vmem>>
      %dma_start3A_64 = arith.constant 0 : i32
      %dma_start3A_65 = arith.constant 0 : i32
      %dma_start3A_66 = tpu.memref_slice %arg1[%dma_start3A_55, %dma_start3A_64, %dma_start3A_65] : memref<128x1024x768xf32, #tpu.memory_space<hbm>> -> memref<1x1024x768xf32, #tpu.memory_space<hbm>>
      %dma_start3A_67 = tpu.memref_squeeze %dma_start3A_66 : memref<1x1024x768xf32, #tpu.memory_space<hbm>> -> memref<1024x768xf32, #tpu.memory_space<hbm>>
      tpu.enqueue_dma source(%dma_start3A_67 : memref<1024x768xf32, #tpu.memory_space<hbm>>) target(%dma_start3A_63 : memref<1024x768xf32, #tpu.memory_space<vmem>>) target_semaphore(%dma_start3A_59 : memref<!tpu.dma_semaphore, #tpu.memory_space<semaphore_mem>>)
      %dma_start3A_68 = arith.constant 2 : i32
      %dma_start3A_69 = arith.constant 2 : i32
      %dma_start3A_70 = arith.constant 2 : i32
      %dma_start3A_71 = tpu.memref_slice %arg7[%dma_start3A_70] : memref<4x!tpu.dma_semaphore, #tpu.memory_space<semaphore_mem>> -> memref<1x!tpu.dma_semaphore, #tpu.memory_space<semaphore_mem>>
      %dma_start3A_72 = tpu.memref_squeeze %dma_start3A_71 : memref<1x!tpu.dma_semaphore, #tpu.memory_space<semaphore_mem>> -> memref<!tpu.dma_semaphore, #tpu.memory_space<semaphore_mem>>
      %dma_start3A_73 = arith.constant 0 : i32
      %dma_start3A_74 = arith.constant 0 : i32
      %dma_start3A_75 = tpu.memref_slice %arg6[%dma_start3A_69, %dma_start3A_73, %dma_start3A_74] : memref<4x1024x768xf32, #tpu.memory_space<vmem>> -> memref<1x1024x768xf32, #tpu.memory_space<vmem>>
      %dma_start3A_76 = tpu.memref_squeeze %dma_start3A_75 : memref<1x1024x768xf32, #tpu.memory_space<vmem>> -> memref<1024x768xf32, #tpu.memory_space<vmem>>
      %dma_start3A_77 = arith.constant 0 : i32
      %dma_start3A_78 = arith.constant 0 : i32
      %dma_start3A_79 = tpu.memref_slice %arg1[%dma_start3A_68, %dma_start3A_77, %dma_start3A_78] : memref<128x1024x768xf32, #tpu.memory_space<hbm>> -> memref<1x1024x768xf32, #tpu.memory_space<hbm>>
      %dma_start3A_80 = tpu.memref_squeeze %dma_start3A_79 : memref<1x1024x768xf32, #tpu.memory_space<hbm>> -> memref<1024x768xf32, #tpu.memory_space<hbm>>
      tpu.enqueue_dma source(%dma_start3A_80 : memref<1024x768xf32, #tpu.memory_space<hbm>>) target(%dma_start3A_76 : memref<1024x768xf32, #tpu.memory_space<vmem>>) target_semaphore(%dma_start3A_72 : memref<!tpu.dma_semaphore, #tpu.memory_space<semaphore_mem>>)
      %dma_start3A_81 = arith.constant 3 : i32
      %dma_start3A_82 = arith.constant 3 : i32
      %dma_start3A_83 = arith.constant 3 : i32
      %dma_start3A_84 = tpu.memref_slice %arg7[%dma_start3A_83] : memref<4x!tpu.dma_semaphore, #tpu.memory_space<semaphore_mem>> -> memref<1x!tpu.dma_semaphore, #tpu.memory_space<semaphore_mem>>
      %dma_start3A_85 = tpu.memref_squeeze %dma_start3A_84 : memref<1x!tpu.dma_semaphore, #tpu.memory_space<semaphore_mem>> -> memref<!tpu.dma_semaphore, #tpu.memory_space<semaphore_mem>>
      %dma_start3A_86 = arith.constant 0 : i32
      %dma_start3A_87 = arith.constant 0 : i32
      %dma_start3A_88 = tpu.memref_slice %arg6[%dma_start3A_82, %dma_start3A_86, %dma_start3A_87] : memref<4x1024x768xf32, #tpu.memory_space<vmem>> -> memref<1x1024x768xf32, #tpu.memory_space<vmem>>
      %dma_start3A_89 = tpu.memref_squeeze %dma_start3A_88 : memref<1x1024x768xf32, #tpu.memory_space<vmem>> -> memref<1024x768xf32, #tpu.memory_space<vmem>>
      %dma_start3A_90 = arith.constant 0 : i32
      %dma_start3A_91 = arith.constant 0 : i32
      %dma_start3A_92 = tpu.memref_slice %arg1[%dma_start3A_81, %dma_start3A_90, %dma_start3A_91] : memref<128x1024x768xf32, #tpu.memory_space<hbm>> -> memref<1x1024x768xf32, #tpu.memory_space<hbm>>
      %dma_start3A_93 = tpu.memref_squeeze %dma_start3A_92 : memref<1x1024x768xf32, #tpu.memory_space<hbm>> -> memref<1024x768xf32, #tpu.memory_space<hbm>>
      tpu.enqueue_dma source(%dma_start3A_93 : memref<1024x768xf32, #tpu.memory_space<hbm>>) target(%dma_start3A_89 : memref<1024x768xf32, #tpu.memory_space<vmem>>) target_semaphore(%dma_start3A_85 : memref<!tpu.dma_semaphore, #tpu.memory_space<semaphore_mem>>)
    } else {
    }
    %rem3A = arith.constant 4 : i32
    %rem3A_2 = arith.remsi %arg0, %rem3A : i32
    %dma_wait3A = tpu.memref_slice %arg7[%rem3A_2] : memref<4x!tpu.dma_semaphore, #tpu.memory_space<semaphore_mem>> -> memref<1x!tpu.dma_semaphore, #tpu.memory_space<semaphore_mem>>
    %dma_wait3A_3 = tpu.memref_squeeze %dma_wait3A : memref<1x!tpu.dma_semaphore, #tpu.memory_space<semaphore_mem>> -> memref<!tpu.dma_semaphore, #tpu.memory_space<semaphore_mem>>
    %dma_wait3A_4 = arith.constant 0 : i32
    %dma_wait3A_5 = arith.constant 0 : i32
    %dma_wait3A_6 = tpu.memref_slice %arg6[%rem3A_2, %dma_wait3A_4, %dma_wait3A_5] : memref<4x1024x768xf32, #tpu.memory_space<vmem>> -> memref<1x1024x768xf32, #tpu.memory_space<vmem>>
    %dma_wait3A_7 = tpu.memref_squeeze %dma_wait3A_6 : memref<1x1024x768xf32, #tpu.memory_space<vmem>> -> memref<1024x768xf32, #tpu.memory_space<vmem>>
    %dma_wait3A_8 = arith.constant 0 : i32
    %dma_wait3A_9 = arith.constant 0 : i32
    %dma_wait3A_10 = tpu.memref_slice %arg1[%arg0, %dma_wait3A_8, %dma_wait3A_9] : memref<128x1024x768xf32, #tpu.memory_space<hbm>> -> memref<1x1024x768xf32, #tpu.memory_space<hbm>>
    %dma_wait3A_11 = tpu.memref_squeeze %dma_wait3A_10 : memref<1x1024x768xf32, #tpu.memory_space<hbm>> -> memref<1024x768xf32, #tpu.memory_space<hbm>>
    tpu.wait_dma2 semaphore(%dma_wait3A_3 : memref<!tpu.dma_semaphore, #tpu.memory_space<semaphore_mem>>) src(%dma_wait3A_11 : memref<1024x768xf32, #tpu.memory_space<hbm>>) dst(%dma_wait3A_7 : memref<1024x768xf32, #tpu.memory_space<vmem>>)
    %get3A = arith.index_cast %rem3A_2 : i32 to index
    %get3A_12 = arith.constant 0 : index
    %get3A_13 = arith.constant 0 : index
    %get3A_14 = vector.load %arg6[%get3A, %get3A_12, %get3A_13] : memref<4x1024x768xf32, #tpu.memory_space<vmem>>, vector<1x1024x768xf32>
    %get3A_15 = vector.shape_cast %get3A_14 : vector<1x1024x768xf32> to vector<1024x768xf32>
    %get3A_16 = arith.constant 0 : index
    %get3A_17 = arith.constant 0 : index
    %get3A_18 = vector.load %arg2[%get3A_16, %get3A_17] : memref<96x768xf32, #tpu.memory_space<vmem>>, vector<96x768xf32>
    %dot_general3A = arith.constant dense<0.000000e+00> : vector<1024x96xf32>
    %dot_general3A_19 = tpu.matmul %get3A_15, %get3A_18, %dot_general3A {dimension_numbers = #tpu.dot_dimension_numbers<[1], [1], [0], [0], [0, 0, 1, 0], [], []>, transpose_lhs_hint = false} : vector<1024x768xf32>, vector<96x768xf32>, vector<1024x96xf32> -> vector<1024x96xf32>
    %get3A_20 = arith.constant 0 : index
    %get3A_21 = arith.constant 0 : index
    %get3A_22 = vector.load %arg3[%get3A_20, %get3A_21] : memref<1x96xf32, #tpu.memory_space<vmem>>, vector<1x96xf32>
    %add3A = vector.broadcast %get3A_22 : vector<1x96xf32> to vector<1024x96xf32>
    %add3A_23 = arith.addf %dot_general3A_19, %add3A : vector<1024x96xf32>
    %get3A_24 = arith.constant 0 : index
    %get3A_25 = arith.constant 0 : index
    %get3A_26 = vector.load %arg4[%get3A_24, %get3A_25] : memref<1024x96xf32, #tpu.memory_space<vmem>>, vector<1024x96xf32>
    %add3A_27 = arith.addf %add3A_23, %get3A_26 : vector<1024x96xf32>
    %jit3A = arith.constant 0 : i32
    %convert_element_type3A_28 = arith.sitofp %jit3A : i32 to f32
    %pad3A = vector.broadcast %convert_element_type3A_28 : f32 to vector<1024x32xf32>
    %pad3A_29 = tpu.concatenate %add3A_27, %pad3A in 1 : vector<1024x96xf32>, vector<1024x32xf32> -> vector<1024x128xf32>
    %swap3A = arith.constant 0 : index
    %swap3A_30 = arith.constant 0 : index
    %swap3A_31 = arith.constant 0 : index
    %swap3A_32 = vector.load %arg5[%swap3A, %swap3A_30, %swap3A_31] : memref<1x1024x128xf32, #tpu.memory_space<vmem>>, vector<1x1024x128xf32>
    %swap3A_33 = vector.shape_cast %swap3A_32 : vector<1x1024x128xf32> to vector<1024x128xf32>
    %swap3A_34 = vector.shape_cast %pad3A_29 : vector<1024x128xf32> to vector<1x1024x128xf32>
    tpu.vector_store %arg5[%swap3A, %swap3A_30, %swap3A_31], %swap3A_34 {strides = array<i32>} : memref<1x1024x128xf32, #tpu.memory_space<vmem>>, vector<1x1024x128xf32>,
    %add3A_35 = arith.constant 4 : i32
    %add3A_36 = arith.addi %arg0, %add3A_35 : i32
    %rem3A_37 = arith.constant 4 : i32
    %rem3A_38 = arith.remsi %add3A_36, %rem3A_37 : i32
    %lt3A = arith.constant 128 : i32
    %lt3A_39 = arith.cmpi slt, %add3A_36, %lt3A : i32
    %convert_element_type3A_40 = arith.extui %lt3A_39 : i1 to i32
    %cond3A_41 = arith.constant 0 : i32
    %cond3A_42 = arith.cmpi ne, %convert_element_type3A_40, %cond3A_41 : i32
    scf.if %cond3A_42 {
      %dma_start3A = tpu.memref_slice %arg7[%rem3A_38] : memref<4x!tpu.dma_semaphore, #tpu.memory_space<semaphore_mem>> -> memref<1x!tpu.dma_semaphore, #tpu.memory_space<semaphore_mem>>
      %dma_start3A_43 = tpu.memref_squeeze %dma_start3A : memref<1x!tpu.dma_semaphore, #tpu.memory_space<semaphore_mem>> -> memref<!tpu.dma_semaphore, #tpu.memory_space<semaphore_mem>>
      %dma_start3A_44 = arith.constant 0 : i32
      %dma_start3A_45 = arith.constant 0 : i32
      %dma_start3A_46 = tpu.memref_slice %arg6[%rem3A_38, %dma_start3A_44, %dma_start3A_45] : memref<4x1024x768xf32, #tpu.memory_space<vmem>> -> memref<1x1024x768xf32, #tpu.memory_space<vmem>>
      %dma_start3A_47 = tpu.memref_squeeze %dma_start3A_46 : memref<1x1024x768xf32, #tpu.memory_space<vmem>> -> memref<1024x768xf32, #tpu.memory_space<vmem>>
      %dma_start3A_48 = arith.constant 0 : i32
      %dma_start3A_49 = arith.constant 0 : i32
      %dma_start3A_50 = tpu.memref_slice %arg1[%add3A_36, %dma_start3A_48, %dma_start3A_49] : memref<128x1024x768xf32, #tpu.memory_space<hbm>> -> memref<1x1024x768xf32, #tpu.memory_space<hbm>>
      %dma_start3A_51 = tpu.memref_squeeze %dma_start3A_50 : memref<1x1024x768xf32, #tpu.memory_space<hbm>> -> memref<1024x768xf32, #tpu.memory_space<hbm>>
      tpu.enqueue_dma source(%dma_start3A_51 : memref<1024x768xf32, #tpu.memory_space<hbm>>) target(%dma_start3A_47 : memref<1024x768xf32, #tpu.memory_space<vmem>>) target_semaphore(%dma_start3A_43 : memref<!tpu.dma_semaphore, #tpu.memory_space<semaphore_mem>>)
    } else {
    }
    return
  }
  func.func @transform_1(%arg0: i32) -> (i32, i32) {
    %c0_i32 = arith.constant 0 : i32
    %c0_i32_0 = arith.constant 0 : i32
    %c0_i32_1 = arith.constant 0 : i32
    return %c0_i32, %c0_i32_0 : i32, i32
  }
  func.func @transform_2(%arg0: i32) -> (i32, i32) {
    %c0_i32 = arith.constant 0 : i32
    %c0_i32_0 = arith.constant 0 : i32
    %c0_i32_1 = arith.constant 0 : i32
    return %c0_i32, %c0_i32_0 : i32, i32
  }
  func.func @transform_3(%arg0: i32) -> (i32, i32) {
    %c0_i32 = arith.constant 0 : i32
    %c0_i32_0 = arith.constant 0 : i32
    %c0_i32_1 = arith.constant 0 : i32
    return %c0_i32, %c0_i32_0 : i32, i32
  }
  func.func @transform_4(%arg0: i32) -> (i32, i32, i32) {
    %c0_i32 = arith.constant 0 : i32
    %c0_i32_0 = arith.constant 0 : i32
    %c0_i32_1 = arith.constant 0 : i32
    return %arg0, %c0_i32, %c0_i32_0 : i32, i32, i32
  }
}

</mosaic_0001>

<sc_bundles>
// kernel: sparse-core-data-format-call.cloned.1.call-start
scs
called_computation_lowered:
.L_overlay_start_0:
0x0: {  	s2 =	sld [smem:$0x3FD9]  }
0x1: {  	s3 =	sld [smem:$0x3FFE];
	_ =	sdelay $0x1  }
0x2: {  	s1 =	srdreg.scid  }
0x3: {  	s0 =	sand.u32 $0x1, s1  }
0x4: {  	s18 =	sshll.u32 s0, $0xA;
	s2 =	sadd.s32 s3, s2  }
0x5: {  	s2 =	sadd.s32 s2, s18  }
0x6: {  	[smem:$0x3FC4] =	sst s2  }
0x7: {  	_ = 	snop  }
0x8: {  	s2 =	sld [smem:$0x3FD0];
	(tm) =	ssettm $0x1  }
0x9: {  	s19 =	sld [smem:$0x3FFB];
	_ =	sdelay $0x3  }
0xa: {  	_ =	strace s19  }
0xb: {  	s3 =	sld [smem:$0x3FFC];
	_ =	sdelay $0x3  }
0xc: {  	_ =	strace s3  }
0xd: {  	s3 =	sld [smem:$0x3FFD];
	_ =	sdelay $0x3  }
0xe: {  	_ =	strace s3  }
0xf: {  	_ =	strace $0x8FFFFFFF  }
0x10: {  	s20 =	sld [smem:$0x3FDB];
	_ =	sdelay $0x1  }
0x11: {  	s4 =	simm.s32 $_scs_section_size  }
0x12: {  	s5 =	simm.s32 $_size__tile_overlayer_lowered;
	s6 =	simm.s32 $_tile_overlayer_lowered  }
0x13: {  	s23 =	simm.s32 $0x1BFF;
	s22 =	sshll.u32 s6, $0x1;
	s3 =	sadd.s32 s4, s20  }
0x14: {  	s7 =	simm.s32 $0x0;
	s21 =	sshll.u32 s5, $0x1;
	s5 =	sadd.s32 s22, s3  }
0x15: {  	[timem:s7], [sflag:s23] =	dma.local [hbm:s5], s21  }
0x16: {  	_ =	swait.ge [sflag:s23], s21  }
0x17: {  	s4 =	ssub.s32 $0x0, s21;
	[sflag:s23] =	ssyncset.done $0x0  }
0x18: {  	[sflag:s23] =	ssyncadd.s32 s4;
	_ =	sdelay $0x1  }
0x19: {  	s24 =	simm.s32 $0x1B8B  }
0x1a: {  	_ =	swait.ge [sflag:s24], $0x1  }
0x1b: {  	[sflag:s24] =	ssyncset.done $0x0  }
0x1c: {  	s26 =	simm.s32 $0x1B8E;
	s25 =	sld [smem:$0x3FFE];
	[sflag:s24] =	ssyncadd.s32 $0xFFFFFFFF  }
0x1d: {  	s27 =	simm.s32 $execute0_lowered;
	[smem:$0x3FD2] =	sst s26  }
0x1e: {  	s5 =	sshll.u32 s27, $0x1;
	_ =	strace $0x80000046;
	[dreg:$0x1] =	wrdreg $0xFFFFFFFF  }
0x1f: {  	s28 =	simm.s32 $_size_execute0_lowered;
	s3 =	sadd.s32 s3, s5;
	[dreg:$0x0] =	wrdreg $0x0  }
0x20: {  	s5 =	sshll.u32 s28, $0x1;
	[dreg:$0x2] =	wrdreg s3  }
0x21: {  	[dreg:$0x3] =	wrdreg s5  }
0x22: {  	[dreg:$0x4] =	wrdreg $0xC0  }
0x23: {  	_ =	task [dreg:s7], $0x5FFFF  }
0x24: {  	[dreg:$0x1] =	wrdreg $0xFFFFFFFF  }
0x25: {  	[dreg:$0x0] =	wrdreg $0x60  }
0x26: {  	[dreg:$0x2] =	wrdreg s25  }
0x27: {  	[dreg:$0x3] =	wrdreg s2  }
0x28: {  	[dreg:$0x4] =	wrdreg $0x9  }
0x29: {  	_ =	task.clear_ibuf [dreg:s7], $0x5FFFF;
	_ =	strace $0x90000046  }
0x2a: {  	s29 =	simm.s32 $0x9;
	_ =	strace $0x80000048  }
0x2b: {  	_ =	swait.ge [sflag:s29], $0x1  }
0x2c: {  	[sflag:s29] =	ssyncadd.s32 $0xFFFFFFFF  }
0x2d: {  	_ =	strace $0x90000048  }
0x2e: {  	_ =	sfence  }
0x2f: {  	s30 =	sld [smem:$0x0];
	_ =	sdelay $0x2  }
0x30: {  	s31 =	sshll.u32 s1, $0xD;
	s1 =	sshrl.u32 s1, $0x2  }
0x31: {  	s3 =	sand.u32 $0x4000, s31;
	s1 =	sadd.s32 s1, s30  }
0x32: {  	s0 =	sor.u32 s3, s0;
	s1 =	sshll.u32 s1, $0x11  }
0x33: {  	s0 =	sor.u32 s1, s0  }
0x34: {  	s0 =	sadd.s32 $0x8F2B, s0  }
0x35: {  	[sflag:s0] =	ssyncadd.remote.s32 $0x1  }
0x36: {  	_ =	sfence.sel $0xFFFF  }
0x37: {  	[dreg:$0x0] =	wrdreg $0xFFFFFFFF;
	(pc) =	sbr.abs _section_cstart, $3  }
0x38: {  	[dreg:$0x1] =	wrdreg $0xFFFFFFFF  }
0x39: {  	_ =	task.clear_ibuf [dreg:s7], $0x2FFFF;
	_ =	strace $0x9FFFFFFF  }
0x3a: {  	(tm) =	ssettm $0x7FFFFFFF  }
0x3b: {  	_ =	shalt  }
tec
execute0_lowered:
.L_overlay_start_1:
0x0: {  	(tag) =	ssettag $0x1  }
0x1: {  	s1 =	rddreg [dreg:$0x0]  }
0x2: {  	s2 =	rddreg [dreg:$0x1]  }
0x3: {  	s0 =	rddreg [dreg:$0x2]  }
0x4: {  	s4 =	srdreg.scid;
	_ =	strace $0x80000047;
	s6 =	simm.s32 $0x2  }
0x5: {  	s12 =	simm.s32 $0x0;
	p0 =	por $0x0, $0x0;
	s13 =	simm.s32 $0x0  }
.Ltmp0:
0x6: {  	s8 =	simm.s32 $0x0;
	s9 =	simm.s32 $0x0;
	(pc) =	sbr.rel .LBB1_1-.Ltmp0, $4  }
0x7: {  	s10 =	simm.s32 $0x0;
	s3 =	sadd.s32 $0x800, s1;
	s4 =	sshll.u32 s4, $0x4  }
0x8: {  	s1 =	stileid.u32;
	s5 =	sand.u32 $0x10, s4;
	s4 =	simm.s32 $0x1  }
0x9: {  	s7 =	simm.s32 $0x0;
	s5 =	sor.u32 s1, s5;
	[sflag:s4] =	ssyncpa.u1 $0x0  }
0xa: {  	[sflag:s6] =	ssyncpa.u1 $0x0;
	s6 =	simm.s32 $0x2000;
	s11 =	smov.u32 s5  }
.LBB1_5:
0xb: {  	p1 =	slt.u32 s7, $0x2  }
0xc: {  	s15 =	smov.u32 s13;
	p2 =	sgt.s32 @!p1 s13, $0x7F;
	s14 =	sshra.s32 @!p1 s13, $0x1F  }
0xd: {  	p3 =	sgt.s32 @!p1 s12, $0x380;
	s16 =	sshra.s32 @!p1 s12, $0x1F;
	p2 =	por !p2, p1  }
0xe: {  	s13 =	sand.u32 @!p1 s14, s13;
	p3 =	por !p3, p1;
	s14 =	smov.u32 s12  }
0xf: {  	s12 =	sand.u32 @!p1 s16, s12;
	s15 =	simm.s32 @p2 $0x7F;
	s14 =	simm.s32 @p3 $0x380  }
0x10: {  	s16 =	smov.u32 s11;
	s13 =	ssub.s32 @!p1 s15, s13;
	s12 =	ssub.s32 @!p1 s14, s12  }
0x11: {  	s14 =	sadd.s32 @!p1 $0xFFFFFF81, s13;
	s13 =	ssub.s32 @!p1 $0x80, s13;
	s15 =	sadd.s32 @!p1 $0xFFFFFC80, s12  }
0x12: {  	p2 =	sgt.s32 @!p1 s14, $0x0;
	s13 =	smul.u32 @!p1 $0x60, s13;
	p3 =	sgt.s32 @!p1 s15, $0x7F  }
0x13: {  	s12 =	ssub.s32 @!p1 $0x400, s12;
	p2 =	por !p2, p1;
	p3 =	por !p3, p1  }
0x14: {  	s14 =	sadd.s32 $0x80, s10;
	s13 =	simm.s32 @!p2 $0x0;
	s12 =	simm.s32 @!p3 $0x0  }
0x15: {  	p2 =	sgt.s32 s14, $0x3FF;
	s12 =	smul.u32 @!p1 s12, s13;
	s13 =	sadd.s32 $0x20, s11  }
0x16: {  	s16 =	smov.u32 @p2 s13  }
0x17: {  	s7 =	sadd.s32 $0x1, s7;
	s14 =	simm.s32 @p2 $0x0;
	p2 =	sgt.s32 s16, $0x7F  }
0x18: {  	s16 =	smov.u32 @p2 s5;
	p2 =	sne.s32 s7, $0x22  }
.Ltmp1:
0x19: {  	p0 =	por !p0, !p0;
	(pc) =	sbr.rel @!p2 .LBB1_6-.Ltmp1, $4  }
0x1a: {  	s15 =	simm.s32 @!p1 $0x2;
	s13 =	smov.u32 s9;
	s12 =	sand.u32 @!p1 $0x3FFFFFE0, s12  }
0x1b: {  	s9 =	smov.u32 s11;
	_ =	swait.ge @!p1 [sflag:s15], s12;
	s17 =	ssub.s32 @!p1 $0x0, s12  }
0x1c: {  	s12 =	smov.u32 s8;
	s8 =	smov.u32 s10;
	[sflag:s15] =	ssyncset.done @!p1 $0x0  }
0x1d: {  	s10 =	smov.u32 s14;
	s11 =	smov.u32 s16;
	[sflag:s15] =	ssyncadd.s32 @!p1 s17  }
.LBB1_1:
0x1e: {  	p1 =	sgt.u32 s7, $0x1F  }
0x1f: {  	s14 =	sxor.u32 @!p1 $0xFFFFFFFF, s7;
	s15 =	sshll.u32 @!p1 s11, $0xE;
	s16 =	sshll.u32 @!p1 s10, $0x4  }
0x20: {  	s14 =	sshll.u32 @!p1 s14, $0xE;
	s16 =	sand.u32 @!p1 $0x3FF0, s16;
	s15 =	sadd.s32 @!p1 s3, s15  }
0x21: {  	s14 =	sand.u32 @!p1 $0x4000, s14;
	s15 =	sadd.s32 @!p1 s16, s15;
	s16 =	simm.s32 @!p1 $0x0  }
0x22: {  	[tilespmem:s14], [sflag:$0x1] =	stream.linear.gather @!p1 [hbm4b:s15+s16], $0x4000, $0x38;
	[tilespmem:$0x10100] =	vst v63  }
0x23: {  	p1 =	seq.s32 s7, $0x0  }
0x24: {  	p2 =	seq.s32 @!p1 s7, $0x21  }
0x25: {  	p1 =	por p1, p2  }
.Ltmp2:
0x26: {  	_ = 	snop;
	(pc) =	sbr.rel @p1 .LBB1_5-.Ltmp2, $1  }
0x27: {  	_ =	sdelay $0x3  }
0x28: {  	s14 =	simm.s32 $0x1  }
0x29: {  	_ =	swait.ge [sflag:s4], $0x4000;
	s14 =	simm.s32 @!p0 $0x0  }
0x2a: {  	[sflag:s4] =	ssyncset.done $0x0;
	s15 =	sshll.u32 s14, $0xE  }
0x2b: {  	[sflag:s4] =	ssyncadd.s32 $0xFFFFC000;
	s15 =	sor.u32 $0x40, s15  }
0x2c: {  	s14 =	smul.u32 $0x10200, s14;
	v0 =	vld [tilespmem:s15+$0x30]  }
0x2d: {  	v1 =	vld [tilespmem:s15+$0xFFFFFFD0]  }
0x2e: {  	s14 =	sshrl.u32 s14, $0x2;
	v5 =	vld [tilespmem:s15+$0xFFFFFFE0]  }
0x2f: {  	v6 =	vld [tilespmem:s15+$0xFFFFFFF0];
	s17 =	sor.u32 $0x8000, s14  }
0x30: {  	s31 =	sand.u32 $0x1, s7;
	v4 =	vld [tilespmem:s15+$0x0];
	s16 =	sadd.s32 $0x0, s17  }
0x31: {  	v3 =	vld [tilespmem:s15+$0x10];
	s14 =	smul.u32 $0x10200, s31;
	[tilespmem:s16+$0x3870 ss:$0x81] =	vst.msk $0xffff, v0  }
0x32: {  	v2 =	vld [tilespmem:s15+$0x20];
	[tilespmem:s16+$0x810 ss:$0x81] =	vst.msk $0xffff, v1  }
0x33: {  	s14 =	sshrl.u32 s14, $0x2;
	v1 =	vld [tilespmem:s15+$0xFFFFFFC0];
	[tilespmem:s16+$0x1020 ss:$0x81] =	vst.msk $0xffff, v5;
	s15 =	sadd.s32 $0x80, s15  }
0x34: {  	s18 =	simm.s32 $0x4;
	s19 =	simm.s32 $0x8;
	s14 =	sor.u32 $0x8000, s14;
	[tilespmem:s16+$0x1830 ss:$0x81] =	vst.msk $0xffff, v6;
	v0 =	vld [tilespmem:s15+$0x30]  }
.LBB1_3:
0x35: {  	p1 =	sne.s32 s19, $0x1FC;
	v5 =	vld [tilespmem:s15+$0xFFFFFFD0];
	[tilespmem:s16+$0x2040 ss:$0x81] =	vst.msk $0xffff, v4  }
0x36: {  	v6 =	vld [tilespmem:s15+$0xFFFFFFE0];
	[tilespmem:s16+$0x2850 ss:$0x81] =	vst.msk $0xffff, v3  }
0x37: {  	s20 =	sshra.s32 s18, $0x2;
	s18 =	smov.u32 s19;
	v7 =	vld [tilespmem:s15+$0xFFFFFFF0];
	[tilespmem:s16+$0x3060 ss:$0x81] =	vst.msk $0xffff, v2  }
.Ltmp3:
0x38: {  	v4 =	vld [tilespmem:s15+$0x0];
	[tilespmem:s16+$0x0 ss:$0x81] =	vst.msk $0xffff, v1;
	s16 =	sadd.s32 s20, s17;
	(pc) =	sbr.rel @p1 .LBB1_3-.Ltmp3, $4  }
0x39: {  	v3 =	vld [tilespmem:s15+$0x10];
	[tilespmem:s16+$0x3870 ss:$0x81] =	vst.msk $0xffff, v0  }
0x3a: {  	[tilespmem:s16+$0x810 ss:$0x81] =	vst.msk $0xffff, v5;
	v2 =	vld [tilespmem:s15+$0x20]  }
0x3b: {  	v1 =	vld [tilespmem:s15+$0xFFFFFFC0];
	[tilespmem:s16+$0x1020 ss:$0x81] =	vst.msk $0xffff, v6;
	s15 =	sadd.s32 $0x80, s15  }
0x3c: {  	s19 =	sadd.s32 $0x4, s19;
	v0 =	vld [tilespmem:s15+$0x30];
	[tilespmem:s16+$0x1830 ss:$0x81] =	vst.msk $0xffff, v7  }
0x3d: {  	s18 =	sshra.s32 s18, $0x2;
	s24 =	sshrl.u32 s8, $0x7  }
0x3e: {  	p1 =	sgt.s32 s9, $0x7F;
	s19 =	smov.u32 s9;
	s20 =	sshra.s32 s9, $0x1F  }
0x3f: {  	v5 =	vld [tilespmem:s15+$0xFFFFFFD0];
	[tilespmem:s16+$0x2040 ss:$0x81] =	vst.msk $0xffff, v4;
	s22 =	sshra.s32 s8, $0x1F;
	s27 =	smul.u32 $0x3000, s9;
	s28 =	sshrl.u32 s8, $0x3  }
0x40: {  	v58 =	vld [tilespmem:s15+$0xFFFFFFE0];
	s29 =	sand.u32 $0x7, s8;
	s17 =	sadd.s32 s18, s17;
	s18 =	sand.u32 $0x3FFFFF, s24;
	[tilespmem:s16+$0x2850 ss:$0x81] =	vst.msk $0xffff, v3  }
0x41: {  	v59 =	vld [tilespmem:s15+$0xFFFFFFF0];
	s19 =	simm.s32 @!p1 $0x7F;
	s20 =	sand.u32 s20, s9;
	p1 =	sgt.s32 s8, $0x380;
	[tilespmem:s16+$0x3060 ss:$0x81] =	vst.msk $0xffff, v2  }
0x42: {  	v60 =	vld [tilespmem:s15+$0x0];
	s22 =	sand.u32 s22, s8;
	s19 =	ssub.s32 s19, s20;
	s20 =	smov.u32 s8;
	[tilespmem:s16+$0x0 ss:$0x81] =	vst.msk $0xffff, v1  }
0x43: {  	v61 =	vld [tilespmem:s15+$0x10];
	s21 =	smulhi.u32 $0x2AAAAAB, s18;
	s25 =	ssub.s32 $0x80, s19;
	s20 =	simm.s32 @!p1 $0x380;
	[tilespmem:s17+$0x3870 ss:$0x81] =	vst.msk $0xffff, v0  }
0x44: {  	v62 =	vld [tilespmem:s15+$0x20];
	s19 =	sadd.s32 $0xFFFFFF81, s19;
	s20 =	ssub.s32 s20, s22;
	s16 =	smul.u32 $0x60, s25;
	[tilespmem:s17+$0x810 ss:$0x81] =	vst.msk $0xffff, v5  }
0x45: {  	v63 =	vld [tilespmem:s15+$0xFFFFFFC0];
	s21 =	smul.u32 $0x60, s21;
	p1 =	sgt.s32 s19, $0x0;
	s26 =	sadd.s32 $0xFFFFFC80, s20;
	[tilespmem:s17+$0x1020 ss:$0x81] =	vst.msk $0xffff, v58  }
0x46: {  	s15 =	ssub.s32 $0x400, s20;
	[tilespmem:s17+$0x1830 ss:$0x81] =	vst.msk $0xffff, v59;
	s16 =	simm.s32 @p1 $0x0;
	p1 =	sgt.s32 s26, $0x7F  }
.Ltmp4:
0x47: {  	s19 =	sadd.s32 s2, s27;
	[tilespmem:s17+$0x2040 ss:$0x81] =	vst.msk $0xffff, v60;
	s15 =	simm.s32 @p1 $0x0;
	(pc) =	sbr.rel .LBB1_5-.Ltmp4, $4  }
0x48: {  	[tilespmem:s17+$0x2850 ss:$0x81] =	vst.msk $0xffff, v61;
	s18 =	ssub.s32 s18, s21;
	s15 =	smul.u32 s15, s16;
	s16 =	sand.u32 $0xF, s28  }
0x49: {  	s30 =	sshll.u32 s29, $0x12;
	[tilespmem:s17+$0x3060 ss:$0x81] =	vst.msk $0xffff, v62;
	s18 =	sshll.u32 s18, $0x7;
	s16 =	sadd.s32 s16, s19  }
0x4a: {  	s31 =	sor.u32 $0x400, s30;
	[tilespmem:s17+$0x0 ss:$0x81] =	vst.msk $0xffff, v63;
	s15 =	sand.u32 $0x3FFFFFE0, s15;
	s16 =	sadd.s32 s18, s16  }
0x4b: {  	[hbm4b:s16+s31] =	stream.strided.scatter [tilespmem:s14], [sflag:$0x2], s15, s6, s31, $0x20;
	[tilespmem:$0x10100] =	vst v63  }
.LBB1_6:
0x4c: {  	_ =	sfence.sel $0x180000  }
0x4d: {  	s2 =	simm.s32 $0x1;
	[bflag:$0x0] =	sbarrier.arrive $0xFFFF  }
0x4e: {  	s31 =	simm.s32 $0x2;
	[sflag:s2] =	ssyncpa.u1 $0x1  }
0x4f: {  	[sflag:s31] =	ssyncpa.u1 $0x1  }
0x50: {  	p0 =	sne.s32 s1, $0x0;
	_ =	strace $0x90000047  }
0x51: {  	s0 =	sadd.s32 @!p0 $0x100000, s0;
	[bflag:$0x2] =	sbarrier.arrive $0xFFFF  }
0x52: {  	[sflag:s0] =	ssyncadd.tile.s32 @!p0 $0x1;
	_ =	shalt  }
.Lfunc_end1:
_tile_overlayer_lowered:
.L_overlay_start_2:
0x53: {  	(tag) =	ssettag $0x2  }
0x54: {  	s0 =	rddreg [dreg:$0x0];
	s2 =	stileid.u32  }
0x55: {  	s1 =	rddreg [dreg:$0x1];
	p0 =	sne.s32 s2, $0x0  }
0x56: {  	s3 =	rddreg [dreg:$0x2];
	[bflag:$0x3] =	sbarrier.arrive $0xFFFF;
	s2 =	simm.s32 @!p0 $0x1C01  }
0x57: {  	[timem:s3], [sflag:s2] =	dma.local @!p0 [hbm:s0], s1  }
0x58: {  	s0 =	simm.s32 @!p0 $0x1  }
0x59: {  	_ =	swait.ge @!p0 [sflag:s0], s1  }
0x5a: {  	s1 =	ssub.s32 @!p0 $0x0, s1;
	[sflag:s0] =	ssyncset.done @!p0 $0x0  }
0x5b: {  	[sflag:s0] =	ssyncadd.s32 @!p0 s1  }
0x5c: {  	[bflag:$0x3] =	sbarrier.arrive $0xFFFF  }
0x5d: {  	_ =	shalt  }

</sc_bundles>
